<compile_context>
chip_gen: v7x
topology: tpu7x:2x2x1
jax: 0.10.2.dev20260603
libtpu: 0.0.44.dev20260713+nightly
codegen_flags: <defaults>
</compile_context>

<pallas_src>
import functools

import jax
import jax.numpy as jnp
from jax import lax
from jax.experimental import pallas as pl
from jax.experimental.pallas import tpu as pltpu
from jax.experimental.pallas import tpu_sc as plsc

N_NODES = 10000
N_EDGES = 320000
D_FEAT = 128
N_PAD = 10240
NW = 32
EPW = 9984
EPW_LAST = N_EDGES - (NW - 1) * EPW
VECS = EPW // 16
VECS_LAST = EPW_LAST // 16

@functools.cache
def _sc_degree_partials():
    mesh = plsc.VectorSubcoreMesh(core_axis_name="c", subcore_axis_name="s")

    @functools.partial(
        pl.kernel,
        out_type=jax.ShapeDtypeStruct((NW, N_PAD), jnp.float32),
        mesh=mesh,
        scratch_types=[
            pltpu.VMEM((2, EPW_LAST), jnp.int32),
            pltpu.VMEM((N_PAD,), jnp.float32),
            pltpu.SemaphoreType.DMA,
        ],
        name="sc_degree_bincount",
        compiler_params=pltpu.CompilerParams(needs_layout_passes=False),
    )
    def sc_kernel(idx_hbm, out_hbm, idx_v, hist_v, dma_sem):
        wid = lax.axis_index("s") * 2 + lax.axis_index("c")
        cp = pltpu.async_copy(idx_hbm.at[:, pl.ds(wid * EPW, EPW_LAST)],
                              idx_v, dma_sem)
        limit = jnp.where(wid == NW - 1, VECS_LAST, VECS)

        zeros16 = jnp.zeros((16,), jnp.float32)

        @plsc.parallel_loop(0, N_PAD // 16, unroll=8)
        def _(i):
            hist_v[pl.ds(i * 16, 16)] = zeros16

        cp.wait()

        @plsc.parallel_loop(0, VECS_LAST, unroll=16)
        def _(j):
            idx = idx_v[0, pl.ds(j * 16, 16)]
            cnt, last = plsc.scan_count(idx)
            plsc.addupdate_scatter(hist_v, [idx],
                                   cnt.astype(jnp.float32),
                                   mask=last & (j < limit))

        pltpu.sync_copy(hist_v, out_hbm.at[wid])

    return sc_kernel


ROWS = 5120
GRID = N_PAD // ROWS


def _tc_update_body(x_ref, p_ref, w_ref, b_ref, o_ref):
    deg = jnp.sum(p_ref[...], axis=0)
    xb = x_ref[...].astype(jnp.bfloat16)
    degb = deg.astype(jnp.bfloat16)
    xcat = jnp.concatenate([xb, degb[:, None]], axis=1)
    wb = w_ref[...].astype(jnp.bfloat16)
    u = jax.lax.dot_general(xcat, wb, (((1,), (1,)), ((), ())),
                            preferred_element_type=jnp.float32)
    u = u + b_ref[...][None, :]
    u = jnp.where(u >= 0, u, 0.01 * u)
    m = jnp.max(u, axis=1, keepdims=True)
    e = jnp.exp(u - m)
    o_ref[...] = e / jnp.sum(e, axis=1, keepdims=True)


_tc_update = pl.pallas_call(
    _tc_update_body,
    grid=(GRID,),
    in_specs=[
        pl.BlockSpec((ROWS, D_FEAT), lambda i: (i, 0)),
        pl.BlockSpec((NW, ROWS), lambda i: (0, i)),
        pl.BlockSpec((D_FEAT, D_FEAT + 1), lambda i: (0, 0)),
        pl.BlockSpec((D_FEAT,), lambda i: (0,)),
    ],
    out_specs=pl.BlockSpec((ROWS, D_FEAT), lambda i: (i, 0)),
    out_shape=jax.ShapeDtypeStruct((N_NODES, D_FEAT), jnp.float32),
    compiler_params=pltpu.CompilerParams(dimension_semantics=("parallel",)),
)


def kernel(node_attributes, edge_node_indices, edge_attributes, W_msg,
           b_msg, W_upd, b_upd):
    partials = _sc_degree_partials()(edge_node_indices.astype(jnp.int32))
    return _tc_update(node_attributes, partials, W_upd, b_upd)

# --- scband reference (transcript-rebuilt; emitter-appended) ---
"""Pipeline reference for scband-simple-convolution-net-22986664968456 (READ-ONLY COPY).

The authoritative reference and input builder live on the scoring server;
editing this copy changes nothing except your own understanding.
"""

import jax, jax.numpy as jnp
import numpy as np

N_NODES = 10000
N_EDGES = 320000
D_FEAT = 128
D_EDGE = 16


def setup_inputs(seed: int = 0) -> dict:
    key = jax.random.key(seed)
    k1, k2, k3, k4, k5, k6, k7 = jax.random.split(key, 7)
    node_attributes = jax.random.normal(k1, (N_NODES, D_FEAT), dtype=jnp.float32)
    edge_node_indices = jax.random.randint(k2, (2, N_EDGES), 0, N_NODES, dtype=jnp.int64)
    edge_attributes = jax.random.normal(k3, (N_EDGES, D_EDGE), dtype=jnp.float32)
    # message layer: Linear(2*D_FEAT + D_EDGE -> 1)
    in_msg = 2 * D_FEAT + D_EDGE
    W_msg = jax.random.normal(k4, (1, in_msg), dtype=jnp.float32) * (1.0 / np.sqrt(in_msg))
    b_msg = jax.random.normal(k5, (1,), dtype=jnp.float32) * 0.01
    # update layer: Linear(D_FEAT + 1 -> D_FEAT)
    in_upd = D_FEAT + 1
    W_upd = jax.random.normal(k6, (D_FEAT, in_upd), dtype=jnp.float32) * (1.0 / np.sqrt(in_upd))
    b_upd = jax.random.normal(k7, (D_FEAT,), dtype=jnp.float32) * 0.01
    return {
        "node_attributes": node_attributes,
        "edge_node_indices": edge_node_indices,
        "edge_attributes": edge_attributes,
        "W_msg": W_msg,
        "b_msg": b_msg,
        "W_upd": W_upd,
        "b_upd": b_upd,
    }


def reference(node_attributes, edge_node_indices, edge_attributes, W_msg, b_msg, W_upd, b_upd):
    node_indices0 = edge_node_indices[0]
    node_indices1 = edge_node_indices[1]
    node_attributes0_input = jnp.take(node_attributes, node_indices0, axis=0)
    node_attributes1_input = jnp.take(node_attributes, node_indices1, axis=0)
    message_inputs = jnp.concatenate(
        [node_attributes0_input, node_attributes1_input, edge_attributes], axis=1
    )
    messages = message_inputs @ W_msg.T + b_msg
    messages = jax.nn.leaky_relu(messages, negative_slope=0.01)
    messages = jax.nn.softmax(messages, axis=1)
    node_messages = jax.ops.segment_sum(
        messages, node_indices0, num_segments=node_attributes.shape[0]
    )
    update_inputs = jnp.concatenate([node_attributes, node_messages], axis=1)
    updated = update_inputs @ W_upd.T + b_upd
    updated = jax.nn.leaky_relu(updated, negative_slope=0.01)
    updated = jax.nn.softmax(updated, axis=1)
    return updated

if __name__ == "__main__":
    import jax
    _d = setup_inputs()
    print(jax.jit(kernel)(*tuple(_d.values())))

</pallas_src>

<mosaic_0001>
#map = affine_map<(d0, d1) -> (0, 0)>
module attributes {stable_mosaic.version = 14 : i64} {
  func.func @sc_degree_bincount(%arg0: i32, %arg1: i32, %arg2: memref<2x320000xi32, #tpu.memory_space<hbm>>, %arg3: memref<32x10240xf32, #tpu.memory_space<hbm>>, %arg4: memref<2x10496xi32, #tpu.memory_space<vmem>>, %arg5: memref<10240xf32, #tpu.memory_space<vmem>>, %arg6: memref<!tpu.dma_semaphore, #tpu.memory_space<semaphore_mem>>) attributes {dimension_semantics = [#tpu.dimension_semantics<core_parallel>, #tpu.dimension_semantics<subcore_parallel>], iteration_bounds = array<i64: 2, 16>, scalar_prefetch = 0 : i64, scratch_operands = 3 : i64, tpu.core_type = #tpu.core_type<sc_vector_subcore>, window_params = [{transform_indices = #map}, {transform_indices = #map}]} {
    %mul3A = arith.constant 2 : i32
    %mul3A_0 = arith.muli %arg1, %mul3A : i32
    %add3A = arith.addi %mul3A_0, %arg0 : i32
    %mul3A_1 = arith.constant 9984 : i32
    %mul3A_2 = arith.muli %add3A, %mul3A_1 : i32
    %dma_start3A = arith.constant 0 : i32
    %dma_start3A_3 = tpu.memref_slice %arg2[%dma_start3A, %mul3A_2] : memref<2x320000xi32, #tpu.memory_space<hbm>> -> memref<2x10496xi32, #tpu.memory_space<hbm>>
    %dma_start3A_4 = arith.constant 0 : i32
    %dma_start3A_5 = tpu.memref_slice %arg2[%dma_start3A_4, %mul3A_2] : memref<2x320000xi32, #tpu.memory_space<hbm>> -> memref<2x10496xi32, #tpu.memory_space<hbm>>
    tpu.enqueue_dma source(%dma_start3A_5 : memref<2x10496xi32, #tpu.memory_space<hbm>>) target(%arg4 : memref<2x10496xi32, #tpu.memory_space<vmem>>) target_semaphore(%arg6 : memref<!tpu.dma_semaphore, #tpu.memory_space<semaphore_mem>>)
    %eq3A = arith.constant 31 : i32
    %eq3A_6 = arith.cmpi eq, %add3A, %eq3A : i32
    %jit3A = arith.constant 656 : i32
    %jit3A_7 = arith.constant 624 : i32
    %select_n3A = arith.select %eq3A_6, %jit3A, %jit3A_7 : i32
    %broadcast_in_dim3A = arith.constant 0.000000e+00 : f32
    %broadcast_in_dim3A_8 = vector.broadcast %broadcast_in_dim3A : f32 to vector<16xf32>
    %parallel_loop3A = arith.constant 0 : i32
    %parallel_loop3A_9 = arith.constant 640 : i32
    %parallel_loop3A_10 = arith.constant 1 : i32
    scf.for %parallel_loop3A_17 = %parallel_loop3A to %parallel_loop3A_9 step %parallel_loop3A_10  : i32 {
      %parallel_loop3A_18 = arith.constant 16 : i32
      %parallel_loop3A_19 = arith.muli %parallel_loop3A_17, %parallel_loop3A_18 : i32
      %parallel_loop3A_20 = arith.index_cast %parallel_loop3A_19 : i32 to index
      %parallel_loop3A_21 = tpu.vector_load %arg5[%parallel_loop3A_20] {strides = array<i32>} : memref<10240xf32, #tpu.memory_space<vmem>>, vector<16xf32>,
      tpu.vector_store %arg5[%parallel_loop3A_20], %broadcast_in_dim3A_8 {strides = array<i32>} : memref<10240xf32, #tpu.memory_space<vmem>>, vector<16xf32>,
    } {sc.loop_unroll_factor = 8 : i64, sc.parallel_access}
    %dma_wait3A = arith.constant 0 : i32
    %dma_wait3A_11 = tpu.memref_slice %arg2[%dma_wait3A, %mul3A_2] : memref<2x320000xi32, #tpu.memory_space<hbm>> -> memref<2x10496xi32, #tpu.memory_space<hbm>>
    %dma_wait3A_12 = arith.constant 0 : i32
    %dma_wait3A_13 = tpu.memref_slice %arg2[%dma_wait3A_12, %mul3A_2] : memref<2x320000xi32, #tpu.memory_space<hbm>> -> memref<2x10496xi32, #tpu.memory_space<hbm>>
    tpu.wait_dma2 semaphore(%arg6 : memref<!tpu.dma_semaphore, #tpu.memory_space<semaphore_mem>>) src(%dma_wait3A_13 : memref<2x10496xi32, #tpu.memory_space<hbm>>) dst(%arg4 : memref<2x10496xi32, #tpu.memory_space<vmem>>)
    %parallel_loop3A_14 = arith.constant 0 : i32
    %parallel_loop3A_15 = arith.constant 656 : i32
    %parallel_loop3A_16 = arith.constant 1 : i32
    scf.for %parallel_loop3A_17 = %parallel_loop3A_14 to %parallel_loop3A_15 step %parallel_loop3A_16  : i32 {
      %parallel_loop3A_18 = arith.constant 16 : i32
      %parallel_loop3A_19 = arith.muli %parallel_loop3A_17, %parallel_loop3A_18 : i32
      %parallel_loop3A_20 = arith.constant 0 : i32
      %parallel_loop3A_21 = arith.index_cast %parallel_loop3A_20 : i32 to index
      %parallel_loop3A_22 = arith.index_cast %parallel_loop3A_19 : i32 to index
      %parallel_loop3A_23 = tpu.vector_load %arg4[%parallel_loop3A_21, %parallel_loop3A_22] {strides = array<i32>} : memref<2x10496xi32, #tpu.memory_space<vmem>>, vector<16xi32>,
      %parallel_loop3A_24 = arith.constant true
      %parallel_loop3A_25 = vector.broadcast %parallel_loop3A_24 : i1 to vector<16xi1>
      %parallel_loop3A_26, %parallel_loop3A_27 = tpu.scan_count mask(%parallel_loop3A_25 : vector<16xi1>) value(%parallel_loop3A_23 : vector<16xi32>) : vector<16xi1>, vector<16xi32>
      %parallel_loop3A_28 = arith.sitofp %parallel_loop3A_27 : vector<16xi32> to vector<16xf32>
      %parallel_loop3A_29 = arith.cmpi slt, %parallel_loop3A_17, %select_n3A : i32
      %parallel_loop3A_30 = vector.broadcast %parallel_loop3A_29 : i1 to vector<16xi1>
      %parallel_loop3A_31 = arith.andi %parallel_loop3A_26, %parallel_loop3A_30 : vector<16xi1>
      tpu.vector_store_idx %arg5[%parallel_loop3A_23], %parallel_loop3A_28 masked %parallel_loop3A_31 {add = true} : memref<10240xf32, #tpu.memory_space<vmem>>[vector<16xi32>], vector<16xf32>, vector<16xi1>
    } {sc.loop_unroll_factor = 16 : i64, sc.parallel_access}
    "tpu.region"() ({
      %run_scoped3A = tpu.sem_alloc : memref<!tpu.dma_semaphore, #tpu.memory_space<semaphore_mem>>
      %dma_start3A_17 = arith.constant 0 : i32
      %dma_start3A_18 = tpu.memref_slice %arg3[%add3A, %dma_start3A_17] : memref<32x10240xf32, #tpu.memory_space<hbm>> -> memref<1x10240xf32, #tpu.memory_space<hbm>>
      %dma_start3A_19 = tpu.memref_squeeze %dma_start3A_18 : memref<1x10240xf32, #tpu.memory_space<hbm>> -> memref<10240xf32, #tpu.memory_space<hbm>>
      %dma_start3A_20 = arith.constant 0 : i32
      %dma_start3A_21 = tpu.memref_slice %arg3[%add3A, %dma_start3A_20] : memref<32x10240xf32, #tpu.memory_space<hbm>> -> memref<1x10240xf32, #tpu.memory_space<hbm>>
      %dma_start3A_22 = tpu.memref_squeeze %dma_start3A_21 : memref<1x10240xf32, #tpu.memory_space<hbm>> -> memref<10240xf32, #tpu.memory_space<hbm>>
      tpu.enqueue_dma source(%arg5 : memref<10240xf32, #tpu.memory_space<vmem>>) target(%dma_start3A_22 : memref<10240xf32, #tpu.memory_space<hbm>>) target_semaphore(%run_scoped3A : memref<!tpu.dma_semaphore, #tpu.memory_space<semaphore_mem>>)
      %dma_wait3A_23 = arith.constant 0 : i32
      %dma_wait3A_24 = tpu.memref_slice %arg3[%add3A, %dma_wait3A_23] : memref<32x10240xf32, #tpu.memory_space<hbm>> -> memref<1x10240xf32, #tpu.memory_space<hbm>>
      %dma_wait3A_25 = tpu.memref_squeeze %dma_wait3A_24 : memref<1x10240xf32, #tpu.memory_space<hbm>> -> memref<10240xf32, #tpu.memory_space<hbm>>
      %dma_wait3A_26 = arith.constant 0 : i32
      %dma_wait3A_27 = tpu.memref_slice %arg3[%add3A, %dma_wait3A_26] : memref<32x10240xf32, #tpu.memory_space<hbm>> -> memref<1x10240xf32, #tpu.memory_space<hbm>>
      %dma_wait3A_28 = tpu.memref_squeeze %dma_wait3A_27 : memref<1x10240xf32, #tpu.memory_space<hbm>> -> memref<10240xf32, #tpu.memory_space<hbm>>
      tpu.wait_dma2 semaphore(%run_scoped3A : memref<!tpu.dma_semaphore, #tpu.memory_space<semaphore_mem>>) src(%arg5 : memref<10240xf32, #tpu.memory_space<vmem>>) dst(%dma_wait3A_28 : memref<10240xf32, #tpu.memory_space<hbm>>)
      tpu.yield
    }) : () -> ()
    return
  }
}

module attributes {stable_mosaic.version = 14 : i64} {
  func.func @_tc_update_body(%arg0: i32, %arg1: memref<5120x128xf32, #tpu.memory_space<vmem>>, %arg2: memref<32x5120xf32, #tpu.memory_space<vmem>>, %arg3: memref<128x129xf32, #tpu.memory_space<vmem>>, %arg4: memref<128xf32, #tpu.memory_space<vmem>>, %arg5: memref<5120x128xf32, #tpu.memory_space<vmem>>) attributes {dimension_semantics = [#tpu.dimension_semantics<parallel>], iteration_bounds = array<i64: 2>, scalar_prefetch = 0 : i64, scratch_operands = 0 : i64, tpu.core_type = #tpu.core_type<tc>, window_params = [{transform_indices = @transform_0, window_bounds = array<i64: 5120, 128>}, {transform_indices = @transform_1, window_bounds = array<i64: 32, 5120>}, {pipeline_mode = #tpu.pipeline_mode<synchronous>, transform_indices = @transform_2, window_bounds = array<i64: 128, 129>}, {pipeline_mode = #tpu.pipeline_mode<synchronous>, transform_indices = @transform_3, window_bounds = array<i64: 128>}, {transform_indices = @transform_4, window_bounds = array<i64: 5120, 128>}]} {
    %get3A = arith.constant 0 : index
    %get3A_0 = arith.constant 0 : index
    %get3A_1 = vector.load %arg2[%get3A, %get3A_0] : memref<32x5120xf32, #tpu.memory_space<vmem>>, vector<32x5120xf32>
    %reduce_sum3A = arith.constant dense<0.000000e+00> : vector<5120xf32>
    %reduce_sum3A_2 = vector.multi_reduction <add>, %get3A_1, %reduce_sum3A [0] : vector<32x5120xf32> to vector<5120xf32>
    %get3A_3 = arith.constant 0 : index
    %get3A_4 = arith.constant 0 : index
    %get3A_5 = vector.load %arg1[%get3A_3, %get3A_4] : memref<5120x128xf32, #tpu.memory_space<vmem>>, vector<5120x128xf32>
    %convert_element_type3A = arith.truncf %get3A_5 : vector<5120x128xf32> to vector<5120x128xbf16>
    %convert_element_type3A_6 = arith.truncf %reduce_sum3A_2 : vector<5120xf32> to vector<5120xbf16>
    %broadcast_in_dim3A = vector.shape_cast %convert_element_type3A_6 : vector<5120xbf16> to vector<5120x1xbf16>
    %concatenate3A = tpu.concatenate %convert_element_type3A, %broadcast_in_dim3A in 1 : vector<5120x128xbf16>, vector<5120x1xbf16> -> vector<5120x129xbf16>
    %get3A_7 = arith.constant 0 : index
    %get3A_8 = arith.constant 0 : index
    %get3A_9 = vector.load %arg3[%get3A_7, %get3A_8] : memref<128x129xf32, #tpu.memory_space<vmem>>, vector<128x129xf32>
    %convert_element_type3A_10 = arith.truncf %get3A_9 : vector<128x129xf32> to vector<128x129xbf16>
    %dot_general3A = arith.constant dense<0.000000e+00> : vector<5120x128xf32>
    %dot_general3A_11 = tpu.matmul %concatenate3A, %convert_element_type3A_10, %dot_general3A {dimension_numbers = #tpu.dot_dimension_numbers<[1], [1], [0], [0], [0, 0, 1, 0], [], []>, transpose_lhs_hint = false} : vector<5120x129xbf16>, vector<128x129xbf16>, vector<5120x128xf32> -> vector<5120x128xf32>
    %get3A_12 = arith.constant 0 : index
    %get3A_13 = vector.load %arg4[%get3A_12] : memref<128xf32, #tpu.memory_space<vmem>>, vector<128xf32>
    %broadcast_in_dim3A_14 = vector.shape_cast %get3A_13 : vector<128xf32> to vector<1x128xf32>
    %add3A = vector.broadcast %broadcast_in_dim3A_14 : vector<1x128xf32> to vector<5120x128xf32>
    %add3A_15 = arith.addf %dot_general3A_11, %add3A : vector<5120x128xf32>
    %ge3A = arith.constant 0.000000e+00 : f32
    %ge3A_16 = vector.broadcast %ge3A : f32 to vector<5120x128xf32>
    %ge3A_17 = arith.cmpf oge, %add3A_15, %ge3A_16 : vector<5120x128xf32>
    %mul3A = arith.constant 0.00999999977 : f32
    %mul3A_18 = vector.broadcast %mul3A : f32 to vector<5120x128xf32>
    %mul3A_19 = arith.mulf %mul3A_18, %add3A_15 : vector<5120x128xf32>
    %select_n3A = arith.select %ge3A_17, %add3A_15, %mul3A_19 : vector<5120x128xi1>, vector<5120x128xf32>
    %reduce_max3A = arith.constant dense<0xFF800000> : vector<5120xf32>
    %reduce_max3A_20 = vector.multi_reduction <maximumf>, %select_n3A, %reduce_max3A [1] : vector<5120x128xf32> to vector<5120xf32>
    %broadcast_in_dim3A_21 = vector.shape_cast %reduce_max3A_20 : vector<5120xf32> to vector<5120x1xf32>
    %sub3A = vector.broadcast %broadcast_in_dim3A_21 : vector<5120x1xf32> to vector<5120x128xf32>
    %sub3A_22 = arith.subf %select_n3A, %sub3A : vector<5120x128xf32>
    %exp3A = math.exp %sub3A_22 : vector<5120x128xf32>
    %reduce_sum3A_23 = arith.constant dense<0.000000e+00> : vector<5120xf32>
    %reduce_sum3A_24 = vector.multi_reduction <add>, %exp3A, %reduce_sum3A_23 [1] : vector<5120x128xf32> to vector<5120xf32>
    %broadcast_in_dim3A_25 = vector.shape_cast %reduce_sum3A_24 : vector<5120xf32> to vector<5120x1xf32>
    %div3A = vector.broadcast %broadcast_in_dim3A_25 : vector<5120x1xf32> to vector<5120x128xf32>
    %div3A_26 = arith.divf %exp3A, %div3A : vector<5120x128xf32>
    %swap3A = arith.constant 0 : index
    %swap3A_27 = arith.constant 0 : index
    %swap3A_28 = vector.load %arg5[%swap3A, %swap3A_27] : memref<5120x128xf32, #tpu.memory_space<vmem>>, vector<5120x128xf32>
    tpu.vector_store %arg5[%swap3A, %swap3A_27], %div3A_26 {strides = array<i32>} : memref<5120x128xf32, #tpu.memory_space<vmem>>, vector<5120x128xf32>,
    return
  }
  func.func @transform_0(%arg0: i32) -> (i32, i32) {
    %c0_i32 = arith.constant 0 : i32
    %c0_i32_0 = arith.constant 0 : i32
    return %arg0, %c0_i32 : i32, i32
  }
  func.func @transform_1(%arg0: i32) -> (i32, i32) {
    %c0_i32 = arith.constant 0 : i32
    %c0_i32_0 = arith.constant 0 : i32
    return %c0_i32, %arg0 : i32, i32
  }
  func.func @transform_2(%arg0: i32) -> (i32, i32) {
    %c0_i32 = arith.constant 0 : i32
    %c0_i32_0 = arith.constant 0 : i32
    %c0_i32_1 = arith.constant 0 : i32
    return %c0_i32, %c0_i32_0 : i32, i32
  }
  func.func @transform_3(%arg0: i32) -> i32 {
    %c0_i32 = arith.constant 0 : i32
    %c0_i32_0 = arith.constant 0 : i32
    return %c0_i32 : i32
  }
  func.func @transform_4(%arg0: i32) -> (i32, i32) {
    %c0_i32 = arith.constant 0 : i32
    %c0_i32_0 = arith.constant 0 : i32
    return %arg0, %c0_i32 : i32, i32
  }
}

</mosaic_0001>

<sc_bundles>
// kernel: sc_degree_bincount.3.cloned.1.call-start
scs
__scs_entry_jumppad:
0x0: {  	(pc) =	sbr.rel $0x88, $3  }
0x1: {  	(tag) =	ssettag $0x0;
	lr =	simm.s32 $0x1  }
0x2: {  	[smem:$0x3F9D] =	sst lr;
	_ =	strace $0xD0000000  }
0x3: {  	_ = 	snop  }
0x4: {  	_ = 	snop  }
0x5: {  	_ = 	snop  }
0x6: {  	_ = 	snop  }
0x7: {  	_ = 	snop  }
__scs_overlays_trampoline_lowered:
0x8: {  	[smem:$0x3FAC] =	sst s0  }
0x9: {  	[smem:$0x3FAD] =	sst s1  }
0xa: {  	[smem:$0x3FAE] =	sst s2  }
0xb: {  	[smem:$0x3FAF] =	sst s3  }
0xc: {  	[smem:$0x3FB0] =	sst s4  }
0xd: {  	[smem:$0x3FB1] =	sst s5  }
0xe: {  	[smem:$0x3FB2] =	sst s6  }
0xf: {  	[smem:$0x3FB3] =	sst s7  }
0x10: {  	[smem:$0x3FB4] =	sst s8  }
0x11: {  	[smem:$0x3FB5] =	sst s9;
	s0 =	simm.s32 @!p0 $0x0  }
0x12: {  	s1 =	sld [smem:$0x3F9B];
	s0 =	simm.s32 @p0 $0x1  }
0x13: {  	[smem:$0x3FB6] =	sst s0;
	s0 =	simm.s32 @!p1 $0x0  }
0x14: {  	s2 =	sld [smem:$0x3F9A];
	s0 =	simm.s32 @p1 $0x1  }
0x15: {  	[smem:$0x3FB7] =	sst s0;
	s0 =	simm.s32 @!p2 $0x0  }
0x16: {  	s3 =	sld [smem:$0x3FDB];
	s0 =	simm.s32 @p2 $0x1  }
0x17: {  	s4 =	simm.s32 $0x1BF5;
	[smem:$0x3FB9] =	sst s0  }
0x18: {  	s0 =	sld [smem:$0x3F9C];
	_ =	swait.ge [sflag:s4], $0x0  }
0x19: {  	s7 =	sld [smem:$0x3F9D]  }
0x1a: {  	s8 =	sadd.s32 $0xFFFFE003, lr  }
0x1b: {  	s9 =	sadd.s32 $0xFFFFFEF7, lr;
	s5 =	simm.s32 $0xFFFFFFFF;
	p2 =	slt.u32 s8, $0xFFFFF086  }
0x1c: {  	p1 =	slt.u32 s9, $0xF7A;
	s5 =	simm.s32 @!p2 $0x0  }
0x1d: {  	s5 =	simm.s32 @p1 $0x1;
	p0 =	seq.s32 s7, s2  }
0x1e: {  	s7 =	smul.u32 @!p0 $0xF7A, s2;
	p2 =	seq.s32 @!p0 s5, $0x0  }
0x1f: {  	s9 =	smul.u32 $0xF7A, s1;
	s8 =	simm.s32 @!p0 $0x1BF5;
	p2 =	por !p2, p0  }
0x20: {  	[sflag:s8] =	ssyncset.s32 @!p0 $0xFFFFF086;
	s6 =	sadd.s32 @!p0 s3, s7;
	s7 =	simm.s32 @!p0 $0x108  }
0x21: {  	s3 =	sadd.s32 s3, s9;
	s6 =	sadd.s32 @!p0 $0x88, s6;
	s7 =	simm.s32 @p2 $0x1082  }
0x22: {  	[simem:s7], [sflag:s8] =	dma.local @!p0 [hbm:s6], $0xF7A  }
0x23: {  	s9 =	sor.u32 $0xD0000000, s2;
	s6 =	simm.s32 $0x108;
	_ =	swait.ge @!p0 [sflag:s8], $0x0  }
0x24: {  	s3 =	sadd.s32 $0x88, s3;
	s6 =	simm.s32 @!p1 $0x1082;
	[sflag:s4] =	ssyncset.s32 $0xFFFFF086  }
0x25: {  	[simem:s6], [sflag:s4] =	dma.local [hbm:s3], $0xF7A  }
0x26: {  	[smem:$0x3F9D] =	sst s1;
	(tag) =	ssettag s2;
	_ =	strace s9  }
0x27: {  	s1 =	sld [smem:$0x3FAD]  }
0x28: {  	s2 =	sld [smem:$0x3FAE]  }
0x29: {  	s4 =	sld [smem:$0x3FB0]  }
0x2a: {  	p0 =	seq.s32 s5, $0x0;
	s5 =	sld [smem:$0x3FB1]  }
0x2b: {  	s6 =	sld [smem:$0x3FB2]  }
0x2c: {  	s7 =	sld [smem:$0x3FB3]  }
0x2d: {  	s3 =	simm.s32 $0x108;
	s8 =	sld [smem:$0x3FB4]  }
0x2e: {  	s3 =	simm.s32 @!p0 $0x1082;
	s9 =	sld [smem:$0x3FB5]  }
0x2f: {  	lr =	sadd.s32 s0, s3;
	s0 =	sld [smem:$0x3FAC]  }
0x30: {  	s3 =	sld [smem:$0x3FAF]  }
0x31: {  	[smem:$0x3FB8] =	sst s10  }
0x32: {  	s10 =	sld [smem:$0x3FB6];
	_ =	sdelay $0x3  }
0x33: {  	p0 =	seq.s32 s10, $0x1;
	s10 =	sld [smem:$0x3FB8];
	_ =	sdelay $0x3  }
0x34: {  	[smem:$0x3FB8] =	sst s10  }
0x35: {  	s10 =	sld [smem:$0x3FB7];
	_ =	sdelay $0x3  }
0x36: {  	p1 =	seq.s32 s10, $0x1;
	s10 =	sld [smem:$0x3FB8];
	_ =	sdelay $0x3  }
0x37: {  	[smem:$0x3FB8] =	sst s10  }
0x38: {  	s10 =	sld [smem:$0x3FB9]  }
0x39: {  	_ = 	snop;
	(pc) =	sbr.ind lr, $3  }
0x3a: {  	_ = 	snop  }
0x3b: {  	_ = 	snop  }
0x3c: {  	p2 =	seq.s32 s10, $0x1;
	s10 =	sld [smem:$0x3FB8]  }
0x3d: {  	_ =	shalt  }
0x3e: {  	_ =	shalt  }
0x3f: {  	_ =	shalt  }
0x40: {  	_ =	shalt  }
0x41: {  	_ =	shalt  }
0x42: {  	_ =	shalt  }
0x43: {  	_ =	shalt  }
0x44: {  	_ =	shalt  }
0x45: {  	_ =	shalt  }
0x46: {  	_ =	shalt  }
0x47: {  	_ =	shalt  }
0x48: {  	_ =	shalt  }
0x49: {  	_ =	shalt  }
0x4a: {  	_ =	shalt  }
0x4b: {  	_ =	shalt  }
0x4c: {  	_ =	shalt  }
0x4d: {  	_ =	shalt  }
0x4e: {  	_ =	shalt  }
0x4f: {  	_ =	shalt  }
0x50: {  	_ =	shalt  }
0x51: {  	_ =	shalt  }
0x52: {  	_ =	shalt  }
0x53: {  	_ =	shalt  }
0x54: {  	_ =	shalt  }
0x55: {  	_ =	shalt  }
0x56: {  	_ =	shalt  }
0x57: {  	_ =	shalt  }
0x58: {  	_ =	shalt  }
0x59: {  	_ =	shalt  }
0x5a: {  	_ =	shalt  }
0x5b: {  	_ =	shalt  }
0x5c: {  	_ =	shalt  }
0x5d: {  	_ =	shalt  }
0x5e: {  	_ =	shalt  }
0x5f: {  	_ =	shalt  }
0x60: {  	_ =	shalt  }
0x61: {  	_ =	shalt  }
0x62: {  	_ =	shalt  }
0x63: {  	_ =	shalt  }
0x64: {  	_ =	shalt  }
0x65: {  	_ =	shalt  }
0x66: {  	_ =	shalt  }
0x67: {  	_ =	shalt  }
0x68: {  	_ =	shalt  }
0x69: {  	_ =	shalt  }
0x6a: {  	_ =	shalt  }
0x6b: {  	_ =	shalt  }
0x6c: {  	_ =	shalt  }
0x6d: {  	_ =	shalt  }
0x6e: {  	_ =	shalt  }
0x6f: {  	_ =	shalt  }
0x70: {  	_ =	shalt  }
0x71: {  	_ =	shalt  }
0x72: {  	_ =	shalt  }
0x73: {  	_ =	shalt  }
0x74: {  	_ =	shalt  }
0x75: {  	_ =	shalt  }
0x76: {  	_ =	shalt  }
0x77: {  	_ =	shalt  }
0x78: {  	_ =	shalt  }
0x79: {  	_ =	shalt  }
0x7a: {  	_ =	shalt  }
0x7b: {  	_ =	shalt  }
0x7c: {  	_ =	shalt  }
0x7d: {  	_ =	shalt  }
0x7e: {  	_ =	shalt  }
0x7f: {  	_ =	shalt  }
0x80: {  	_ =	shalt  }
0x81: {  	_ =	shalt  }
0x82: {  	_ =	shalt  }
0x83: {  	_ =	shalt  }
0x84: {  	_ =	shalt  }
0x85: {  	_ =	shalt  }
0x86: {  	_ =	shalt  }
0x87: {  	_ =	shalt  }
.Lfunc_end0:
.L_simem_size_0:
called_computation_lowered:
.L_overlay_start_0:
0x88: {  	s2 =	sld [smem:$0x3FD9]  }
0x89: {  	s3 =	sld [smem:$0x3FFE];
	_ =	sdelay $0x1  }
0x8a: {  	s1 =	srdreg.scid  }
0x8b: {  	s0 =	sand.u32 $0x1, s1  }
0x8c: {  	s18 =	sshll.u32 s0, $0xA;
	s2 =	sadd.s32 s3, s2  }
0x8d: {  	s2 =	sadd.s32 s2, s18  }
0x8e: {  	[smem:$0x3FC4] =	sst s2  }
0x8f: {  	_ = 	snop  }
0x90: {  	s2 =	sld [smem:$0x3FC8]  }
0x91: {  	s19 =	sld [smem:$0x3FD0];
	(tm) =	ssettm $0x1  }
0x92: {  	s4 =	sld [smem:$0x3FFB];
	_ =	sdelay $0x3  }
0x93: {  	_ =	strace s4  }
0x94: {  	s4 =	sld [smem:$0x3FFC];
	_ =	sdelay $0x3  }
0x95: {  	_ =	strace s4  }
0x96: {  	s4 =	sld [smem:$0x3FFD];
	_ =	sdelay $0x3  }
0x97: {  	_ =	strace s4  }
0x98: {  	_ =	strace $0x8FFFFFFF  }
0x99: {  	s20 =	sld [smem:$0x3FDB];
	_ =	sdelay $0x1  }
0x9a: {  	s5 =	simm.s32 $_scs_section_size  }
0x9b: {  	s6 =	simm.s32 $_size__tile_overlayer_lowered;
	s7 =	simm.s32 $_tile_overlayer_lowered  }
0x9c: {  	s23 =	simm.s32 $0x1BFF;
	s22 =	sshll.u32 s7, $0x1;
	s4 =	sadd.s32 s5, s20  }
0x9d: {  	s8 =	simm.s32 $0x0;
	s21 =	sshll.u32 s6, $0x1;
	s6 =	sadd.s32 s22, s4  }
0x9e: {  	[timem:s8], [sflag:s23] =	dma.local [hbm:s6], s21  }
0x9f: {  	_ =	swait.ge [sflag:s23], s21  }
0xa0: {  	s5 =	ssub.s32 $0x0, s21;
	[sflag:s23] =	ssyncset.done $0x0  }
0xa1: {  	[sflag:s23] =	ssyncadd.s32 s5;
	_ =	sdelay $0x1  }
0xa2: {  	s24 =	simm.s32 $0x1B8B  }
0xa3: {  	_ =	swait.ge [sflag:s24], $0x1  }
0xa4: {  	[sflag:s24] =	ssyncset.done $0x0  }
0xa5: {  	s25 =	simm.s32 $0x1B8E;
	[sflag:s24] =	ssyncadd.s32 $0xFFFFFFFF  }
0xa6: {  	s26 =	simm.s32 $execute0_lowered;
	[smem:$0x3FD2] =	sst s25  }
0xa7: {  	s5 =	sshll.u32 s26, $0x1;
	_ =	strace $0x80000046;
	[dreg:$0x1] =	wrdreg $0xFFFFFFFF  }
0xa8: {  	s28 =	simm.s32 $_size_execute0_lowered;
	s4 =	sadd.s32 s4, s5;
	[dreg:$0x0] =	wrdreg $0x0  }
0xa9: {  	s5 =	sshll.u32 s28, $0x1;
	[dreg:$0x2] =	wrdreg s4  }
0xaa: {  	[dreg:$0x3] =	wrdreg s5  }
0xab: {  	[dreg:$0x4] =	wrdreg $0xC0  }
0xac: {  	_ =	task [dreg:s8], $0x5FFFF  }
0xad: {  	[dreg:$0x1] =	wrdreg $0xFFFFFFFF  }
0xae: {  	[dreg:$0x0] =	wrdreg $0x60  }
0xaf: {  	[dreg:$0x2] =	wrdreg s2  }
0xb0: {  	[dreg:$0x3] =	wrdreg s19  }
0xb1: {  	[dreg:$0x4] =	wrdreg $0x9  }
0xb2: {  	_ =	task.clear_ibuf [dreg:s8], $0x5FFFF;
	_ =	strace $0x90000046  }
0xb3: {  	s29 =	simm.s32 $0x9;
	_ =	strace $0x80000048  }
0xb4: {  	_ =	swait.ge [sflag:s29], $0x1  }
0xb5: {  	[sflag:s29] =	ssyncadd.s32 $0xFFFFFFFF  }
0xb6: {  	_ =	strace $0x90000048  }
0xb7: {  	_ =	sfence  }
0xb8: {  	s30 =	sld [smem:$0x0];
	_ =	sdelay $0x2  }
0xb9: {  	s31 =	sshll.u32 s1, $0xD;
	s1 =	sshrl.u32 s1, $0x2  }
0xba: {  	s3 =	sand.u32 $0x4000, s31;
	s1 =	sadd.s32 s1, s30  }
0xbb: {  	s0 =	sor.u32 s3, s0;
	s1 =	sshll.u32 s1, $0x11  }
0xbc: {  	s0 =	sor.u32 s1, s0  }
0xbd: {  	s0 =	sadd.s32 $0x8F2B, s0  }
0xbe: {  	[sflag:s0] =	ssyncadd.remote.s32 $0x1  }
0xbf: {  	_ =	sfence.sel $0xFFFF  }
0xc0: {  	[dreg:$0x0] =	wrdreg $0xFFFFFFFF;
	(pc) =	sbr.abs _section_cstart, $3  }
0xc1: {  	[dreg:$0x1] =	wrdreg $0xFFFFFFFF  }
0xc2: {  	_ =	task.clear_ibuf [dreg:s8], $0x2FFFF;
	_ =	strace $0x9FFFFFFF  }
0xc3: {  	(tm) =	ssettm $0x7FFFFFFF  }
tec
execute0_lowered:
.L_overlay_start_1:
0x0: {  	(tag) =	ssettag $0x1  }
0x1: {  	s3 =	rddreg [dreg:$0x0];
	s1 =	srdreg.scid  }
0x2: {  	s0 =	stileid.u32;
	s12 =	rddreg [dreg:$0x1]  }
0x3: {  	s15 =	simm.s32 $0x5200;
	s16 =	simm.s32 $0x80;
	s17 =	simm.s32 $0x400  }
0x4: {  	s18 =	simm.s32 $0x2;
	s19 =	simm.s32 $0x0;
	s4 =	sand.u32 $0x1, s1  }
0x5: {  	s2 =	sshll.u32 s0, $0x1;
	s1 =	rddreg [dreg:$0x2];
	s30 =	sshrl.u32 s0, $0x2  }
0x6: {  	s5 =	sor.u32 s4, s2;
	s2 =	simm.s32 $0x0;
	s9 =	smul.u32 $0x14000, s30  }
0x7: {  	s4 =	ssub.s32 $0x2, s4;
	s6 =	smul.u32 $0x9C0, s5;
	[smem:$0x7FF] =	sst s2  }
0x8: {  	s7 =	sshrl.u32 s4, $0x1;
	p0 =	seq.s32 s5, $0x1F;
	s31 =	sshll.u32 s5, $0x7  }
0x9: {  	_ =	strace $0x80000047;
	s13 =	ssub.s32 s4, s7;
	s4 =	simm.s32 $0x290  }
0xa: {  	s10 =	sand.u32 $0x380, s31;
	s3 =	sadd.s32 s3, s6;
	s4 =	simm.s32 @!p0 $0x270  }
0xb: {  	s11 =	sor.u32 s9, s10;
	s13 =	smax.u32 s13, $0x1;
	s5 =	sadd.s32 $0xFFFFFFFF, s4  }
0xc: {  	s6 =	sadd.s32 $0xFFFFFFFE, s4;
	s7 =	sadd.s32 $0xFFFFFFFD, s4;
	s8 =	sadd.s32 $0xFFFFFFFC, s4  }
0xd: {  	s9 =	sadd.s32 $0xFFFFFFFB, s4;
	s10 =	sadd.s32 $0xFFFFFFFA, s4;
	s14 =	sshrl.u32 s11, $0x3  }
0xe: {  	v0 =	vimm.f32 $0.0e+00;
	vm0 =	vmxor vm0, vm0;
	s11 =	sadd.s32 $0xFFFFFFF9, s4;
	s12 =	sadd.s32 s12, s14;
	s14 =	simm.s32 $0x1  }
.LBB2_1:
0xf: {  	[tilespmem:s2], [sflag:$0x1] =	stream.linear.gather [hbm4b:s3+s2], $0x5200, $0x38;
	[tilespmem:$0x7A00] =	vst v63  }
0x10: {  	s20 =	simm.s32 $0x5240  }
0x11: {  	[tilespmem:s20+$0xFFFFFFC0] =	vst v0  }
0x12: {  	[tilespmem:s20+$0x30] =	vst v0  }
0x13: {  	[tilespmem:s20+$0x20] =	vst v0  }
0x14: {  	[tilespmem:s20+$0x10] =	vst v0  }
0x15: {  	[tilespmem:s20+$0x0] =	vst v0  }
0x16: {  	[tilespmem:s20+$0xFFFFFFF0] =	vst v0  }
0x17: {  	s21 =	simm.s32 $0x0;
	[tilespmem:s20+$0xFFFFFFE0] =	vst v0  }
.LBB2_2:
0x18: {  	s21 =	sadd.s32 $0x8, s21;
	[tilespmem:s20+$0xFFFFFFD0] =	vst v0;
	s20 =	sadd.s32 $0x80, s20  }
0x19: {  	[tilespmem:s20+$0xFFFFFFC0] =	vst v0;
	p0 =	slt.u32 s21, $0x278  }
0x1a: {  	[tilespmem:s20+$0x30] =	vst v0  }
.Ltmp0:
0x1b: {  	[tilespmem:s20+$0x20] =	vst v0;
	(pc) =	sbr.rel @p0 .LBB2_2-.Ltmp0, $4  }
0x1c: {  	[tilespmem:s20+$0x10] =	vst v0  }
0x1d: {  	[tilespmem:s20+$0x0] =	vst v0  }
0x1e: {  	[tilespmem:s20+$0xFFFFFFF0] =	vst v0  }
0x1f: {  	[tilespmem:s20+$0xFFFFFFE0] =	vst v0  }
0x20: {  	[tilespmem:s20+$0xFFFFFFD0] =	vst v0  }
0x21: {  	_ =	swait.ge [sflag:s14], $0x5200  }
0x22: {  	[sflag:s14] =	ssyncset.done $0x0  }
0x23: {  	s31 =	simm.s32 $0x100;
	[sflag:s14] =	ssyncadd.s32 $0xFFFFAE00  }
0x24: {  	v11 =	vld [tilespmem:s31+$0x70]  }
0x25: {  	v13 =	vld [tilespmem:s31+$0xFFFFFF10]  }
0x26: {  	v14 =	vld [tilespmem:s31+$0xFFFFFF20]  }
0x27: {  	v15 =	vld [tilespmem:s31+$0xFFFFFF30]  }
0x28: {  	v16 =	vld [tilespmem:s31+$0xFFFFFF40]  }
0x29: {  	v17 =	vld [tilespmem:s31+$0xFFFFFF50];
	(xrf1) =	vunique.msk.u32 $0xffff, v11  }
0x2a: {  	v3 =	vld [tilespmem:s31+$0xFFFFFF60];
	(xrf1) =	vunique.msk.u32 $0xffff, v13  }
0x2b: {  	(xrf1) =	vunique.msk.u32 $0xffff, v14  }
0x2c: {  	v2 =	vld [tilespmem:s31+$0xFFFFFF70];
	(xrf1) =	vunique.msk.u32 $0xffff, v15  }
0x2d: {  	v9 =	vld [tilespmem:s31+$0x0];
	(xrf1) =	vunique.msk.u32 $0xffff, v16  }
0x2e: {  	v8 =	vld [tilespmem:s31+$0x10];
	(xrf1) =	vunique.msk.u32 $0xffff, v17  }
0x2f: {  	(xrf1) =	vunique.msk.u32 $0xffff, v3  }
0x30: {  	v7 =	vld [tilespmem:s31+$0x20]  }
0x31: {  	v5 =	vld [tilespmem:s31+$0x30];
	(xrf1) =	vunique.msk.u32 $0xffff, v2  }
0x32: {  	v4 =	vld [tilespmem:s31+$0x40];
	(xrf1) =	vunique.msk.u32 $0xffff, v9  }
0x33: {  	(xrf1) =	vunique.msk.u32 $0xffff, v8;
	_ =	sdelay $0x1  }
0x34: {  	p0 =	sgt.u32 s4, $0xF;
	vm1 =	vmmov vm0;
	(xrf1) =	vunique.msk.u32 $0xffff, v7  }
0x35: {  	p1 =	sgt.u32 s5, $0x0;
	vm3 =	vmmov vm0;
	vm4 =	vmmov vm0;
	vm1 =	vmneg @p0 vm1;
	p0 =	sgt.u32 s6, $0x0;
	(xrf1) =	vunique.msk.u32 $0xffff, v5  }
0x36: {  	vm3 =	vmneg @p1 vm3;
	vm4 =	vmneg @p0 vm4;
	(xrf1) =	vunique.msk.u32 $0xffff, v4;
	_, v10, vm2 =	vpop (xrf1)  }
0x37: {  	p0 =	sgt.u32 s7, $0x0;
	_, v12, vm5 =	vpop (xrf1);
	vm2 =	vmand vm1, vm2;
	vm1 =	vmmov vm0;
	v22 =	vcvt.s32.f32 v10  }
0x38: {  	v1 =	vld [tilespmem:s31+$0x50];
	_, v18, vm6 =	vpop (xrf1);
	v19 =	vcvt.s32.f32 v12;
	vm7 =	vmand vm3, vm5;
	vm1 =	vmneg @p0 vm1  }
0x39: {  	p0 =	sgt.u32 s8, $0x0;
	vm5 =	vmmov vm0;
	_, v12, vm8 =	vpop (xrf1);
	v18 =	vcvt.s32.f32 v18;
	vm3 =	vmand vm4, vm6  }
0x3a: {  	vm5 =	vmneg @p0 vm5;
	p0 =	sgt.u32 s9, $0x0;
	vm6 =	vmmov vm0;
	_, v20, vm9 =	vpop (xrf1);
	vm4 =	vmand vm1, vm8  }
0x3b: {  	vm6 =	vmneg @p0 vm6;
	p0 =	sgt.u32 s10, $0x0;
	vm8 =	vmmov vm0;
	v24 =	vcvt.s32.f32 v12;
	_, v21, vm1 =	vpop (xrf1)  }
0x3c: {  	v6 =	vld [tilespmem:s31+$0x60];
	vm5 =	vmand vm5, vm9;
	vm8 =	vmneg @p0 vm8;
	vm6 =	vmand vm6, vm1;
	_, v23, vm1 =	vpop (xrf1)  }
0x3d: {  	(xrf1) =	vunique.msk.u32 $0xffff, v1;
	v10 =	vld [tilespmem:s31+$0xFFFFFF00];
	v20 =	vcvt.s32.f32 v20;
	p0 =	sgt.u32 s11, $0x0;
	vm1 =	vmand vm8, vm1;
	vm8 =	vmmov vm0  }
0x3e: {  	vm9 =	vmmov vm0;
	v21 =	vcvt.s32.f32 v21;
	[tilespmem:v11+s15+$0x0] =	vst.idx.add.f32.msk vm2, v22;
	_, v11, vm2 =	vpop (xrf1);
	vm8 =	vmneg @p0 vm8;
	p0 =	sgt.u32 s4, $0x8  }
0x3f: {  	[tilespmem:v13+s15+$0x0] =	vst.idx.add.f32.msk vm7, v19;
	v13 =	vcvt.s32.f32 v11;
	_, v11, vm7 =	vpop (xrf1);
	vm2 =	vmand vm8, vm2;
	vm9 =	vmneg @p0 vm9  }
0x40: {  	p0 =	sgt.u32 s4, $0x9;
	vm8 =	vmmov vm0;
	[tilespmem:v14+s15+$0x0] =	vst.idx.add.f32.msk vm3, v18;
	v14 =	vcvt.s32.f32 v11;
	vm3 =	vmand vm9, vm7;
	_, v11, vm7 =	vpop (xrf1)  }
0x41: {  	vm8 =	vmneg @p0 vm8;
	p0 =	sgt.u32 s4, $0xA;
	vm9 =	vmmov vm0;
	[tilespmem:v15+s15+$0x0] =	vst.idx.add.f32.msk vm4, v24;
	v15 =	vcvt.s32.f32 v11  }
0x42: {  	(xrf1) =	vunique.msk.u32 $0xffff, v6;
	vm4 =	vmand vm8, vm7;
	vm9 =	vmneg @p0 vm9;
	p0 =	sgt.u32 s4, $0xB;
	_, v11, vm7 =	vpop (xrf1);
	vm8 =	vmmov vm0  }
0x43: {  	[tilespmem:v16+s15+$0x0] =	vst.idx.add.f32.msk vm5, v20;
	v16 =	vcvt.s32.f32 v11;
	vm5 =	vmand vm9, vm7;
	vm8 =	vmneg @p0 vm8;
	_, v11, vm7 =	vpop (xrf1)  }
0x44: {  	[tilespmem:v17+s15+$0x0] =	vst.idx.add.f32.msk vm6, v21;
	vm6 =	vmand vm8, vm7;
	_, v18, vm7 =	vpop (xrf1);
	(xrf1) =	vunique.msk.u32 $0xffff, v10;
	_ =	sdelay $0x8  }
0x45: {  	v12 =	vcvt.s32.f32 v23;
	p0 =	sgt.u32 s4, $0xC;
	vm9 =	vmmov vm0  }
0x46: {  	s21 =	simm.s32 $0x0;
	s22 =	simm.s32 $0x300;
	v17 =	vcvt.s32.f32 v11;
	vm9 =	vmneg @p0 vm9;
	p0 =	sgt.u32 s4, $0xD;
	vm8 =	vmmov vm0  }
0x47: {  	s20 =	simm.s32 $0x10;
	s23 =	simm.s32 $0x20;
	p1 =	sgt.u32 s4, $0xE;
	v11 =	vld [tilespmem:s22+$0x70];
	v18 =	vcvt.s32.f32 v18;
	vm7 =	vmand vm9, vm7;
	vm8 =	vmneg @p0 vm8;
	_, v30, vm9 =	vpop (xrf1)  }
.LBB2_4:
0x48: {  	vm8 =	vmand vm8, vm9;
	vm9 =	vmmov vm0  }
0x49: {  	p0 =	slt.u32 s23, $0x280;
	v22 =	vld [tilespmem:s22+$0xFFFFFF10];
	p2 =	slt.u32 s21, s4;
	v24 =	vcvt.s32.f32 v30;
	_, v19, vm10 =	vpop (xrf1);
	s21 =	smov.u32 s20;
	vm11 =	vmmov vm0;
	vm9 =	vmneg @p1 vm9  }
0x4a: {  	s20 =	smov.u32 s23;
	vm11 =	vmneg @p2 vm11;
	v25 =	vcvt.s32.f32 v19;
	v23 =	vld [tilespmem:s22+$0xFFFFFF20];
	vm9 =	vmand vm9, vm10;
	_, v19, vm10 =	vpop (xrf1)  }
0x4b: {  	v27 =	vmovc v9;
	v28 =	vmovc v8;
	v29 =	vmov v7;
	v21 =	vld [tilespmem:s22+$0xFFFFFF30];
	v26 =	vcvt.s32.f32 v19;
	vm10 =	vmand vm11, vm10  }
0x4c: {  	v30 =	vmovc v5;
	v31 =	vmovc v4;
	v32 =	vmov v1;
	v33 =	vmov v6;
	v34 =	vmov v10;
	v20 =	vld [tilespmem:s22+$0xFFFFFF40]  }
0x4d: {  	v19 =	vld [tilespmem:s22+$0xFFFFFF50];
	(xrf1) =	vunique.msk.u32 $0xffff, v11  }
0x4e: {  	v35 =	vld [tilespmem:s22+$0xFFFFFF60];
	(xrf1) =	vunique.msk.u32 $0xffff, v22  }
0x4f: {  	v36 =	vld [tilespmem:s22+$0xFFFFFF70];
	(xrf1) =	vunique.msk.u32 $0xffff, v23  }
0x50: {  	v9 =	vld [tilespmem:s22+$0x0];
	(xrf1) =	vunique.msk.u32 $0xffff, v21  }
0x51: {  	v8 =	vld [tilespmem:s22+$0x10];
	(xrf1) =	vunique.msk.u32 $0xffff, v20  }
0x52: {  	v7 =	vld [tilespmem:s22+$0x20];
	(xrf1) =	vunique.msk.u32 $0xffff, v19  }
0x53: {  	v5 =	vld [tilespmem:s22+$0x30];
	(xrf1) =	vunique.msk.u32 $0xffff, v35  }
0x54: {  	v4 =	vld [tilespmem:s22+$0x40];
	(xrf1) =	vunique.msk.u32 $0xffff, v36  }
0x55: {  	v1 =	vld [tilespmem:s22+$0x50];
	(xrf1) =	vunique.msk.u32 $0xffff, v9  }
0x56: {  	v6 =	vld [tilespmem:s22+$0x60];
	(xrf1) =	vunique.msk.u32 $0xffff, v8  }
0x57: {  	v10 =	vld [tilespmem:s22+$0xFFFFFF00];
	(xrf1) =	vunique.msk.u32 $0xffff, v7  }
0x58: {  	(xrf1) =	vunique.msk.u32 $0xffff, v5;
	[tilespmem:v34+s15+$0x0] =	vst.idx.add.f32.msk vm10, v26  }
0x59: {  	s24 =	sadd.s32 $0xF, s21;
	p1 =	slt.u32 s21, s5;
	(xrf1) =	vunique.msk.u32 $0xffff, v4;
	[tilespmem:v3+s15+$0x0] =	vst.idx.add.f32.msk vm1, v12;
	v3 =	vmov v35;
	vm1 =	vmmov vm0  }
0x5a: {  	p2 =	slt.u32 s24, s4;
	(xrf1) =	vunique.msk.u32 $0xffff, v1;
	[tilespmem:v2+s15+$0x0] =	vst.idx.add.f32.msk vm2, v13;
	v2 =	vmovc v36;
	vm1 =	vmneg @p1 vm1;
	vm2 =	vmmov vm0  }
0x5b: {  	p1 =	slt.u32 s21, s6;
	vm2 =	vmneg @p2 vm2;
	(xrf1) =	vunique.msk.u32 $0xffff, v6;
	_, v12, vm10 =	vpop (xrf1);
	[tilespmem:v27+s15+$0x0] =	vst.idx.add.f32.msk vm3, v14;
	vm3 =	vmmov vm0  }
0x5c: {  	vm3 =	vmneg @p1 vm3;
	vm2 =	vmand vm2, vm10;
	_, v13, vm10 =	vpop (xrf1)  }
0x5d: {  	p1 =	slt.u32 s21, s7;
	(xrf1) =	vunique.msk.u32 $0xffff, v10;
	[tilespmem:v28+s15+$0x0] =	vst.idx.add.f32.msk vm4, v15;
	vm10 =	vmand vm1, vm10;
	vm1 =	vmmov vm0  }
0x5e: {  	v13 =	vcvt.s32.f32 v13;
	_, v14, vm4 =	vpop (xrf1);
	[tilespmem:v29+s15+$0x0] =	vst.idx.add.f32.msk vm5, v16;
	vm1 =	vmneg @p1 vm1;
	p1 =	slt.u32 s21, s8  }
0x5f: {  	vm5 =	vmmov vm0;
	v14 =	vcvt.s32.f32 v14;
	vm3 =	vmand vm3, vm4;
	_, v15, vm4 =	vpop (xrf1)  }
0x60: {  	vm5 =	vmneg @p1 vm5;
	p1 =	slt.u32 s21, s9;
	[tilespmem:v30+s15+$0x0] =	vst.idx.add.f32.msk vm6, v17;
	vm4 =	vmand vm1, vm4;
	vm1 =	vmmov vm0  }
0x61: {  	v15 =	vcvt.s32.f32 v15;
	_, v16, vm6 =	vpop (xrf1);
	[tilespmem:v31+s15+$0x0] =	vst.idx.add.f32.msk vm7, v18;
	vm1 =	vmneg @p1 vm1  }
0x62: {  	v17 =	vcvt.s32.f32 v12;
	vm5 =	vmand vm5, vm6;
	_, v12, vm6 =	vpop (xrf1)  }
0x63: {  	v16 =	vcvt.s32.f32 v16;
	p1 =	slt.u32 s21, s10;
	[tilespmem:v32+s15+$0x0] =	vst.idx.add.f32.msk vm8, v24;
	vm6 =	vmand vm1, vm6;
	vm1 =	vmmov vm0  }
0x64: {  	v18 =	vcvt.s32.f32 v12;
	_, v12, vm7 =	vpop (xrf1);
	vm1 =	vmneg @p1 vm1  }
0x65: {  	s24 =	sadd.s32 $0x8, s21;
	[tilespmem:v33+s15+$0x0] =	vst.idx.add.f32.msk vm9, v25;
	p1 =	slt.u32 s21, s11;
	vm1 =	vmand vm1, vm7;
	vm7 =	vmmov vm0  }
0x66: {  	[tilespmem:v11+s15+$0x0] =	vst.idx.add.f32.msk vm2, v17;
	_, v11, vm2 =	vpop (xrf1);
	vm7 =	vmneg @p1 vm7  }
0x67: {  	v12 =	vcvt.s32.f32 v12;
	p1 =	slt.u32 s24, s4;
	s24 =	sadd.s32 $0x9, s21;
	vm2 =	vmand vm7, vm2;
	vm7 =	vmmov vm0  }
0x68: {  	[tilespmem:v22+s15+$0x0] =	vst.idx.add.f32.msk vm10, v13;
	v13 =	vcvt.s32.f32 v11;
	_, v11, vm8 =	vpop (xrf1);
	vm7 =	vmneg @p1 vm7;
	p1 =	slt.u32 s24, s4;
	s24 =	sadd.s32 $0xA, s21  }
0x69: {  	[tilespmem:v23+s15+$0x0] =	vst.idx.add.f32.msk vm3, v14;
	vm3 =	vmand vm7, vm8;
	vm7 =	vmmov vm0  }
0x6a: {  	v14 =	vcvt.s32.f32 v11;
	_, v11, vm8 =	vpop (xrf1);
	vm7 =	vmneg @p1 vm7;
	p1 =	slt.u32 s24, s4;
	s24 =	sadd.s32 $0xB, s21  }
0x6b: {  	[tilespmem:v21+s15+$0x0] =	vst.idx.add.f32.msk vm4, v15;
	vm4 =	vmand vm7, vm8;
	vm7 =	vmmov vm0  }
0x6c: {  	v15 =	vcvt.s32.f32 v11;
	_, v11, vm8 =	vpop (xrf1);
	vm7 =	vmneg @p1 vm7;
	p1 =	slt.u32 s24, s4;
	s24 =	sadd.s32 $0xC, s21  }
0x6d: {  	[tilespmem:v20+s15+$0x0] =	vst.idx.add.f32.msk vm5, v16;
	vm5 =	vmand vm7, vm8;
	vm7 =	vmmov vm0  }
.Ltmp1:
0x6e: {  	v16 =	vcvt.s32.f32 v11;
	_, v11, vm8 =	vpop (xrf1);
	vm7 =	vmneg @p1 vm7;
	p1 =	slt.u32 s24, s4;
	s24 =	sadd.s32 $0xD, s21;
	(pc) =	sbr.rel @p0 .LBB2_4-.Ltmp1, $4  }
0x6f: {  	[tilespmem:v19+s15+$0x0] =	vst.idx.add.f32.msk vm6, v18;
	vm6 =	vmand vm7, vm8;
	vm7 =	vmmov vm0  }
0x70: {  	_, v18, vm8 =	vpop (xrf1);
	vm7 =	vmneg @p1 vm7  }
0x71: {  	s22 =	sadd.s32 $0x200, s22;
	v17 =	vcvt.s32.f32 v11;
	p1 =	slt.u32 s24, s4;
	s24 =	sadd.s32 $0xE, s21;
	vm7 =	vmand vm7, vm8;
	vm8 =	vmmov vm0  }
0x72: {  	s23 =	sadd.s32 $0x10, s23;
	v18 =	vcvt.s32.f32 v18;
	v11 =	vld [tilespmem:s22+$0x70];
	_, v30, vm9 =	vpop (xrf1);
	vm8 =	vmneg @p1 vm8;
	p1 =	slt.u32 s24, s4  }
0x73: {  	v31 =	vld [tilespmem:s22+$0xFFFFFF10]  }
0x74: {  	v32 =	vld [tilespmem:s22+$0xFFFFFF20]  }
0x75: {  	v33 =	vld [tilespmem:s22+$0xFFFFFF30]  }
0x76: {  	v29 =	vld [tilespmem:s22+$0xFFFFFF40]  }
0x77: {  	v28 =	vld [tilespmem:s22+$0xFFFFFF50];
	(xrf1) =	vunique.msk.u32 $0xffff, v11  }
0x78: {  	(xrf1) =	vunique.msk.u32 $0xffff, v31  }
0x79: {  	(xrf1) =	vunique.msk.u32 $0xffff, v32  }
0x7a: {  	v27 =	vld [tilespmem:s22+$0xFFFFFF60];
	(xrf1) =	vunique.msk.u32 $0xffff, v33  }
0x7b: {  	(xrf1) =	vunique.msk.u32 $0xffff, v29  }
0x7c: {  	(xrf1) =	vunique.msk.u32 $0xffff, v28  }
0x7d: {  	v24 =	vld [tilespmem:s22+$0xFFFFFF70];
	_ =	sdelay $0x1  }
0x7e: {  	(xrf1) =	vunique.msk.u32 $0xffff, v27  }
0x7f: {  	v19 =	vld [tilespmem:s22+$0x0]  }
0x80: {  	v20 =	vld [tilespmem:s22+$0x10]  }
0x81: {  	(xrf1) =	vunique.msk.u32 $0xffff, v24  }
0x82: {  	p0 =	slt.u32 s21, s4;
	_, v35, vm15 =	vpop (xrf1);
	vm10 =	vmmov vm0  }
0x83: {  	v21 =	vld [tilespmem:s22+$0x20];
	vm10 =	vmneg @p0 vm10;
	_, v36, vm11 =	vpop (xrf1)  }
0x84: {  	v22 =	vld [tilespmem:s22+$0x30];
	vm11 =	vmand vm10, vm11;
	(xrf1) =	vunique.msk.u32 $0xffff, v19;
	_, v37, vm10 =	vpop (xrf1)  }
0x85: {  	(xrf1) =	vunique.msk.u32 $0xffff, v20;
	_, v38, vm12 =	vpop (xrf1)  }
0x86: {  	v23 =	vld [tilespmem:s22+$0x40];
	_, v39, vm13 =	vpop (xrf1)  }
0x87: {  	v25 =	vld [tilespmem:s22+$0x50];
	v41 =	vimm.s32 $0x0;
	_, v40, vm14 =	vpop (xrf1)  }
0x88: {  	v26 =	vld [tilespmem:s22+$0x60];
	v42 =	vimm.s32 $0x0;
	(xrf1) =	vunique.msk.u32 $0xffff, v21;
	v41 =	vsel vm14, $0xFFFFFFFF, v41;
	_, v61, vm14 =	vpop (xrf1)  }
0x89: {  	v34 =	vld [tilespmem:s22+$0xFFFFFF00];
	v43 =	vimm.s32 $0x0;
	(xrf1) =	vunique.msk.u32 $0xffff, v22;
	[tilespmem:$0x1FF70] =	vst v41;
	v42 =	vsel vm14, $0xFFFFFFFF, v42;
	_, v62, vm14 =	vpop (xrf1)  }
0x8a: {  	v36 =	vcvt.s32.f32 v36;
	[tilespmem:$0x1FF80] =	vst v42;
	v43 =	vsel vm14, $0xFFFFFFFF, v43  }
0x8b: {  	(xrf1) =	vunique.msk.u32 $0xffff, v23;
	[tilespmem:$0x1FF90] =	vst v43  }
0x8c: {  	v63 =	vimm.s32 $0x0;
	[tilespmem:v10+s15+$0x0] =	vst.idx.add.f32.msk vm11, v36;
	_, v10, vm11 =	vpop (xrf1)  }
0x8d: {  	(xrf1) =	vunique.msk.u32 $0xffff, v25;
	v36 =	vsel vm11, $0xFFFFFFFF, v63  }
0x8e: {  	[tilespmem:$0x1FFA0] =	vst v36  }
0x8f: {  	v43 =	vimm.s32 $0x0;
	[tilespmem:v3+s15+$0x0] =	vst.idx.add.f32.msk vm1, v12;
	_, v3, vm14 =	vpop (xrf1)  }
0x90: {  	v12 =	vsel vm14, $0xFFFFFFFF, v43  }
0x91: {  	vm1 =	vmmov vm0;
	[tilespmem:$0x1FFB0] =	vst v12  }
0x92: {  	vm8 =	vmand vm8, vm9;
	vm1 =	vmneg @p1 vm1;
	[tilespmem:v2+s15+$0x0] =	vst.idx.add.f32.msk vm2, v13;
	_, v2, vm9 =	vpop (xrf1)  }
0x93: {  	v45 =	vimm.s32 $0x0;
	[tilespmem:v9+s15+$0x0] =	vst.idx.add.f32.msk vm3, v14;
	vm3 =	vmand vm1, vm15;
	_, v44, vm1 =	vpop (xrf1)  }
0x94: {  	v12 =	vsel vm1, $0xFFFFFFFF, v45  }
0x95: {  	[tilespmem:$0x1FFC0] =	vst v12  }
0x96: {  	[tilespmem:v8+s15+$0x0] =	vst.idx.add.f32.msk vm4, v15;
	_, v8, vm4 =	vpop (xrf1)  }
0x97: {  	v47 =	vimm.s32 $0x0;
	p1 =	slt.u32 s20, s5;
	vm15 =	vmmov vm0;
	_, v46, vm14 =	vpop (xrf1)  }
0x98: {  	s23 =	sadd.s32 $0xF, s20;
	v50 =	vimm.s32 $0x0;
	vm15 =	vmneg @p1 vm15;
	[tilespmem:v7+s15+$0x0] =	vst.idx.add.f32.msk vm5, v16;
	v12 =	vsel vm14, $0xFFFFFFFF, v47  }
0x99: {  	p0 =	slt.u32 s23, s4;
	(xrf1) =	vunique.msk.u32 $0xffff, v26;
	vm2 =	vmmov vm0;
	vm15 =	vmand vm15, vm12;
	_, v49, vm12 =	vpop (xrf1);
	[tilespmem:$0x1FFD0] =	vst v12  }
0x9a: {  	(xrf1) =	vunique.msk.u32 $0xffff, v34;
	vm2 =	vmneg @p0 vm2;
	v13 =	vsel vm12, $0xFFFFFFFF, v50;
	[tilespmem:v5+s15+$0x0] =	vst.idx.add.f32.msk vm6, v17  }
0x9b: {  	v54 =	vimm.s32 $0x0;
	vm1 =	vmand vm2, vm10;
	_, v53, vm10 =	vpop (xrf1);
	[tilespmem:$0x1FFE0] =	vst v13;
	v51 =	vld [tilespmem:$0x1FF70]  }
0x9c: {  	v48 =	vcvt.s32.f32 v30;
	v14 =	vsel vm10, $0xFFFFFFFF, v54;
	[tilespmem:v4+s15+$0x0] =	vst.idx.add.f32.msk vm7, v18  }
0x9d: {  	[tilespmem:$0x1FFF0] =	vst v14;
	v55 =	vld [tilespmem:$0x1FF80]  }
0x9e: {  	p0 =	slt.u32 s20, s6;
	vm2 =	vmmov vm0;
	[tilespmem:v1+s15+$0x0] =	vst.idx.add.f32.msk vm8, v48  }
0x9f: {  	vm2 =	vmneg @p0 vm2;
	v57 =	vld [tilespmem:$0x1FF90]  }
0xa0: {  	v52 =	vcvt.s32.f32 v35;
	p0 =	slt.u32 s20, s7;
	vm5 =	vmmov vm0;
	vm13 =	vmand vm2, vm13  }
0xa1: {  	vm5 =	vmneg @p0 vm5;
	v1 =	vcvt.s32.f32 v37;
	vm14 =	vnez.u8 v51  }
0xa2: {  	v58 =	vcvt.s32.f32 v38;
	vm2 =	vmmov vm0;
	p0 =	slt.u32 s20, s8;
	[tilespmem:v6+s15+$0x0] =	vst.idx.add.f32.msk vm3, v52;
	vm6 =	vmand vm5, vm14  }
0xa3: {  	vm2 =	vmneg @p0 vm2;
	p0 =	slt.u32 s20, s9;
	vm7 =	vmmov vm0;
	[tilespmem:v11+s15+$0x0] =	vst.idx.add.f32.msk vm1, v1;
	vm11 =	vnez.u8 v55  }
0xa4: {  	vm7 =	vmneg @p0 vm7;
	v11 =	vld [tilespmem:$0x1FFA0];
	vm14 =	vmand vm2, vm11;
	vm12 =	vnez.u8 v57  }
0xa5: {  	v1 =	vcvt.s32.f32 v39;
	[tilespmem:v31+s15+$0x0] =	vst.idx.add.f32.msk vm15, v58;
	vm7 =	vmand vm7, vm12  }
0xa6: {  	v60 =	vcvt.s32.f32 v40;
	v4 =	vld [tilespmem:$0x1FFB0]  }
0xa7: {  	p0 =	slt.u32 s20, s4;
	_, v56, vm5 =	vpop (xrf1);
	[tilespmem:v32+s15+$0x0] =	vst.idx.add.f32.msk vm13, v1;
	vm2 =	vmmov vm0  }
0xa8: {  	v61 =	vcvt.s32.f32 v61;
	vm2 =	vmneg @p0 vm2;
	_, v59, vm12 =	vpop (xrf1);
	[tilespmem:v33+s15+$0x0] =	vst.idx.add.f32.msk vm6, v60  }
0xa9: {  	v1 =	vcvt.s32.f32 v62;
	vm12 =	vmand vm2, vm12;
	vm2 =	vnez.u8 v11;
	v11 =	vld [tilespmem:$0x1FFC0]  }
0xaa: {  	p1 =	slt.u32 s20, s10;
	vm3 =	vmmov vm0;
	[tilespmem:v29+s15+$0x0] =	vst.idx.add.f32.msk vm14, v61  }
0xab: {  	vm3 =	vmneg @p1 vm3;
	[tilespmem:v28+s15+$0x0] =	vst.idx.add.f32.msk vm7, v1  }
0xac: {  	vm1 =	vmmov vm0;
	p0 =	slt.u32 s20, s11;
	vm11 =	vmand vm3, vm2;
	v1 =	vld [tilespmem:$0x1FFD0]  }
0xad: {  	s24 =	sadd.s32 $0x8, s20;
	v63 =	vcvt.s32.f32 v10;
	vm1 =	vmneg @p0 vm1  }
0xae: {  	s25 =	sadd.s32 $0x9, s20;
	p0 =	slt.u32 s24, s4;
	v62 =	vcvt.s32.f32 v59;
	vm2 =	vmmov vm0;
	vm3 =	vnez.u8 v4  }
0xaf: {  	vm10 =	vmand vm1, vm3;
	vm2 =	vmneg @p0 vm2;
	p0 =	slt.u32 s25, s4;
	vm3 =	vmmov vm0  }
0xb0: {  	s26 =	sadd.s32 $0xA, s20;
	vm6 =	vmmov vm0;
	vm1 =	vmand vm2, vm9;
	vm3 =	vmneg @p0 vm3;
	[tilespmem:v34+s15+$0x0] =	vst.idx.add.f32.msk vm12, v62  }
0xb1: {  	s28 =	sadd.s32 $0xB, s20;
	p0 =	slt.u32 s26, s4;
	vm2 =	vnez.u8 v11;
	vm13 =	vnez.u8 v1;
	v1 =	vcvt.s32.f32 v3;
	v3 =	vld [tilespmem:$0x1FFE0]  }
0xb2: {  	s29 =	sadd.s32 $0xC, s20;
	vm6 =	vmneg @p0 vm6;
	p0 =	slt.u32 s28, s4;
	vm2 =	vmand vm3, vm2;
	vm3 =	vmmov vm0;
	[tilespmem:v27+s15+$0x0] =	vst.idx.add.f32.msk vm11, v63  }
0xb3: {  	s30 =	sadd.s32 $0xD, s20;
	vm4 =	vmand vm6, vm4;
	vm6 =	vmmov vm0;
	vm3 =	vmneg @p0 vm3;
	p0 =	slt.u32 s29, s4;
	v4 =	vld [tilespmem:$0x1FFF0]  }
0xb4: {  	s31 =	sadd.s32 $0xE, s20;
	vm7 =	vmmov vm0;
	vm6 =	vmneg @p0 vm6;
	p0 =	slt.u32 s30, s4  }
0xb5: {  	vm8 =	vmmov vm0;
	vm7 =	vmneg @p0 vm7;
	p0 =	slt.u32 s31, s4;
	vm3 =	vmand vm3, vm13  }
0xb6: {  	vm8 =	vmneg @p0 vm8  }
0xb7: {  	v2 =	vcvt.s32.f32 v2;
	vm5 =	vmand vm8, vm5;
	vm14 =	vnez.u8 v3  }
0xb8: {  	[tilespmem:v24+s15+$0x0] =	vst.idx.add.f32.msk vm10, v1;
	v1 =	vcvt.s32.f32 v8;
	vm6 =	vmand vm6, vm14;
	vm15 =	vnez.u8 v4  }
0xb9: {  	[tilespmem:v19+s15+$0x0] =	vst.idx.add.f32.msk vm1, v2;
	v2 =	vcvt.s32.f32 v46;
	vm7 =	vmand vm7, vm15  }
0xba: {  	[tilespmem:v21+s15+$0x0] =	vst.idx.add.f32.msk vm4, v1;
	v3 =	vcvt.s32.f32 v44  }
0xbb: {  	[tilespmem:v22+s15+$0x0] =	vst.idx.add.f32.msk vm3, v2;
	v2 =	vcvt.s32.f32 v56  }
0xbc: {  	[tilespmem:v20+s15+$0x0] =	vst.idx.add.f32.msk vm2, v3;
	v3 =	vcvt.s32.f32 v49  }
0xbd: {  	s19 =	sadd.s32 $0x1, s19;
	v1 =	vcvt.s32.f32 v53;
	[tilespmem:v26+s15+$0x0] =	vst.idx.add.f32.msk vm5, v2  }
0xbe: {  	p0 =	sne.s32 s19, s13;
	[tilespmem:v23+s15+$0x0] =	vst.idx.add.f32.msk vm6, v3  }
.Ltmp2:
0xbf: {  	[tilespmem:v25+s15+$0x0] =	vst.idx.add.f32.msk vm7, v1;
	(pc) =	sbr.rel @p0 .LBB2_1-.Ltmp2, $4  }
0xc0: {  	[hbm4b:s12+s16] =	stream.strided.scatter [tilespmem:s15], [sflag:$0x2], $0x2800, s17, s16, $0x38;
	[tilespmem:$0x7A00] =	vst v63  }
0xc1: {  	_ =	swait.ge [sflag:s18], $0x2800  }
0xc2: {  	[sflag:s18] =	ssyncset.done $0x0  }
0xc3: {  	[sflag:s18] =	ssyncadd.s32 $0xFFFFD800  }
0xc4: {  	_ =	sfence.sel $0x180000  }
0xc5: {  	[bflag:$0x0] =	sbarrier.arrive $0xFFFF  }
0xc6: {  	p0 =	sne.s32 s0, $0x0;
	_ =	strace $0x90000047  }
0xc7: {  	s0 =	sadd.s32 @!p0 $0x100000, s1;
	[bflag:$0x2] =	sbarrier.arrive $0xFFFF  }
0xc8: {  	[sflag:s0] =	ssyncadd.tile.s32 @!p0 $0x1;
	_ =	shalt  }
.Lfunc_end2:
_tile_overlayer_lowered:
.L_overlay_start_2:
0xc9: {  	(tag) =	ssettag $0x2  }
0xca: {  	s0 =	rddreg [dreg:$0x0];
	s2 =	stileid.u32  }
0xcb: {  	s1 =	rddreg [dreg:$0x1];
	p0 =	sne.s32 s2, $0x0  }
0xcc: {  	s3 =	rddreg [dreg:$0x2];
	[bflag:$0x3] =	sbarrier.arrive $0xFFFF;
	s2 =	simm.s32 @!p0 $0x1C02  }
0xcd: {  	[timem:s3], [sflag:s2] =	dma.local @!p0 [hbm:s0], s1  }
0xce: {  	s0 =	simm.s32 @!p0 $0x2  }
0xcf: {  	_ =	swait.ge @!p0 [sflag:s0], s1  }
0xd0: {  	s1 =	ssub.s32 @!p0 $0x0, s1;
	[sflag:s0] =	ssyncset.done @!p0 $0x0  }
0xd1: {  	[sflag:s0] =	ssyncadd.s32 @!p0 s1  }
0xd2: {  	[bflag:$0x3] =	sbarrier.arrive $0xFFFF  }
0xd3: {  	_ =	shalt  }

</sc_bundles>
